<compile_context>
chip_gen: v7x
topology: tpu7x:2x2x1
jax: 0.10.2.dev20260603
libtpu: 0.0.44.dev20260713+nightly
codegen_flags: <defaults>
</compile_context>

<pallas_src>
import functools

import jax
import jax.numpy as jnp
from jax import lax
from jax.experimental import pallas as pl
from jax.experimental.pallas import tpu as pltpu
from jax.experimental.pallas import tpu_sc as plsc

BATCH = 1024
STACK = 100000
FEAT = 128
KEEP = STACK - BATCH

NC = 2
NS = 16
NW = NC * NS

KEEP_E = KEEP * FEAT
SHIFT_E = BATCH * FEAT
SPAN_E = KEEP_E // NW
NBUF = 2
XB_E = BATCH * FEAT // NW

CHUNK_E = 60624
WARM_E = SPAN_E - 6 * CHUNK_E
SIZES = (WARM_E,) + (CHUNK_E,) * 6
OFFS = tuple(sum(SIZES[:i]) for i in range(len(SIZES)))
NFULL = len(SIZES)

_mesh = plsc.VectorSubcoreMesh(core_axis_name="c", subcore_axis_name="s")


@functools.partial(
    pl.kernel,
    out_type=jax.ShapeDtypeStruct((STACK * FEAT,), jnp.float32),
    mesh=_mesh,
    scratch_types=(
        [pltpu.VMEM((CHUNK_E,), jnp.float32) for _ in range(NBUF)]
        + [pltpu.VMEM((XB_E,), jnp.float32)]
        + [pltpu.SemaphoreType.DMA for _ in range(2 * NBUF + 1)]
    ),
    compiler_params=pltpu.CompilerParams(
        disable_bounds_checks=True,
        disable_semaphore_checks=True,
        skip_device_barrier=True,
    ),
)
def _sc_shift(x_hbm, st_hbm, out_hbm, *scratch):
    bufs = scratch[:NBUF]
    bx = scratch[NBUF]
    rsem = scratch[NBUF + 1 : 2 * NBUF + 1]
    wsem = scratch[2 * NBUF + 1 : 3 * NBUF + 1]
    sx = scratch[3 * NBUF + 1]
    wid = lax.axis_index("s") * NC + lax.axis_index("c")
    src_base = SHIFT_E + wid * SPAN_E
    dst_base = wid * SPAN_E

    def rd(i):
        return pltpu.make_async_copy(
            st_hbm.at[pl.ds(src_base + OFFS[i], SIZES[i])],
            bufs[i % NBUF].at[pl.ds(0, SIZES[i])],
            rsem[i % NBUF],
        )

    def wr(i):
        return pltpu.make_async_copy(
            bufs[i % NBUF].at[pl.ds(0, SIZES[i])],
            out_hbm.at[pl.ds(dst_base + OFFS[i], SIZES[i])],
            wsem[i % NBUF],
        )

    x_rd = pltpu.make_async_copy(x_hbm.at[pl.ds(wid * XB_E, XB_E)], bx, sx)
    x_rd.start()

    for i in range(NBUF - 1):
        rd(i).start()
    for i in range(NFULL):
        if i + NBUF - 1 < NFULL:
            if i >= 1:
                wr(i - 1).wait()
            rd(i + NBUF - 1).start()
        rd(i).wait()
        wr(i).start()

    x_rd.wait()
    x_wr = pltpu.make_async_copy(bx, out_hbm.at[pl.ds(KEEP_E + wid * XB_E, XB_E)], sx)
    x_wr.start()
    for i in range(NFULL - NBUF, NFULL):
        wr(i).wait()
    x_wr.wait()


def kernel(x, latent_stack):
    flat = _sc_shift(x.reshape(-1), latent_stack.reshape(-1))
    return flat.reshape(STACK, FEAT)

# --- scband reference (transcript-rebuilt; emitter-appended) ---
"""Pipeline reference for scband-latent-stack-2087354106282 (READ-ONLY COPY).

The authoritative reference and input builder live on the scoring server;
editing this copy changes nothing except your own understanding.
"""

import jax, jax.numpy as jnp
import numpy as np

BATCH_SIZE = 1024
STACK_LEN = 100000
D = 128

def setup_inputs(seed: int = 0) -> dict:
    key = jax.random.key(seed)
    x = jax.random.normal(key, (BATCH_SIZE, D), dtype=jnp.float32)
    # non-trainable stack weight, initializer='zeros'
    latent_stack = jnp.zeros((STACK_LEN, D), dtype=jnp.float32)
    return {"x": x, "latent_stack": latent_stack}

def reference(x, latent_stack):
    # FIFO shift: drop the oldest batch_size rows, append the new batch at the end.
    # new_stack = tf.concat([latent_stack[batch_size:, ...], x], 0)
    new_stack = jnp.concatenate([latent_stack[BATCH_SIZE:, ...], x], axis=0)
    # the layer assigns new_stack to the stack variable and returns it
    return new_stack

if __name__ == "__main__":
    import jax
    _d = setup_inputs()
    print(jax.jit(kernel)(*tuple(_d.values())))

</pallas_src>

<mosaic_0001>
#map = affine_map<(d0, d1) -> (0)>
module attributes {stable_mosaic.version = 14 : i64} {
  func.func @_sc_shift(%arg0: i32, %arg1: i32, %arg2: memref<131072xf32, #tpu.memory_space<hbm>>, %arg3: memref<12800000xf32, #tpu.memory_space<hbm>>, %arg4: memref<12800000xf32, #tpu.memory_space<hbm>>, %arg5: memref<60624xf32, #tpu.memory_space<vmem>>, %arg6: memref<60624xf32, #tpu.memory_space<vmem>>, %arg7: memref<4096xf32, #tpu.memory_space<vmem>>, %arg8: memref<!tpu.dma_semaphore, #tpu.memory_space<semaphore_mem>>, %arg9: memref<!tpu.dma_semaphore, #tpu.memory_space<semaphore_mem>>, %arg10: memref<!tpu.dma_semaphore, #tpu.memory_space<semaphore_mem>>, %arg11: memref<!tpu.dma_semaphore, #tpu.memory_space<semaphore_mem>>, %arg12: memref<!tpu.dma_semaphore, #tpu.memory_space<semaphore_mem>>) attributes {dimension_semantics = [#tpu.dimension_semantics<core_parallel>, #tpu.dimension_semantics<subcore_parallel>], iteration_bounds = array<i64: 2, 16>, scalar_prefetch = 0 : i64, scratch_operands = 8 : i64, tpu.core_type = #tpu.core_type<sc_vector_subcore>, window_params = [{transform_indices = #map}, {transform_indices = #map}, {transform_indices = #map}]} {
    %mul3A = arith.constant 2 : i32
    %mul3A_0 = arith.muli %arg1, %mul3A : i32
    %add3A = arith.addi %mul3A_0, %arg0 : i32
    %mul3A_1 = arith.constant 395904 : i32
    %mul3A_2 = arith.muli %add3A, %mul3A_1 : i32
    %add3A_3 = arith.constant 131072 : i32
    %add3A_4 = arith.addi %add3A_3, %mul3A_2 : i32
    %mul3A_5 = arith.constant 395904 : i32
    %mul3A_6 = arith.muli %add3A, %mul3A_5 : i32
    %mul3A_7 = arith.constant 4096 : i32
    %mul3A_8 = arith.muli %add3A, %mul3A_7 : i32
    %dma_start3A = tpu.memref_slice %arg2[%mul3A_8] : memref<131072xf32, #tpu.memory_space<hbm>> -> memref<4096xf32, #tpu.memory_space<hbm>>
    %dma_start3A_9 = tpu.memref_slice %arg2[%mul3A_8] : memref<131072xf32, #tpu.memory_space<hbm>> -> memref<4096xf32, #tpu.memory_space<hbm>>
    tpu.enqueue_dma source(%dma_start3A_9 : memref<4096xf32, #tpu.memory_space<hbm>>) target(%arg7 : memref<4096xf32, #tpu.memory_space<vmem>>) target_semaphore(%arg12 : memref<!tpu.dma_semaphore, #tpu.memory_space<semaphore_mem>>)
    %add3A_10 = arith.constant 0 : i32
    %add3A_11 = arith.addi %add3A_4, %add3A_10 : i32
    %dma_start3A_12 = arith.constant 0 : i32
    %dma_start3A_13 = tpu.memref_slice %arg5[%dma_start3A_12] : memref<60624xf32, #tpu.memory_space<vmem>> -> memref<32160xf32, #tpu.memory_space<vmem>>
    %dma_start3A_14 = tpu.memref_slice %arg3[%add3A_11] : memref<12800000xf32, #tpu.memory_space<hbm>> -> memref<32160xf32, #tpu.memory_space<hbm>>
    %dma_start3A_15 = arith.constant 0 : i32
    %dma_start3A_16 = tpu.memref_slice %arg5[%dma_start3A_15] : memref<60624xf32, #tpu.memory_space<vmem>> -> memref<32160xf32, #tpu.memory_space<vmem>>
    %dma_start3A_17 = tpu.memref_slice %arg3[%add3A_11] : memref<12800000xf32, #tpu.memory_space<hbm>> -> memref<32160xf32, #tpu.memory_space<hbm>>
    tpu.enqueue_dma source(%dma_start3A_17 : memref<32160xf32, #tpu.memory_space<hbm>>) target(%dma_start3A_16 : memref<32160xf32, #tpu.memory_space<vmem>>) target_semaphore(%arg8 : memref<!tpu.dma_semaphore, #tpu.memory_space<semaphore_mem>>)
    %add3A_18 = arith.constant 32160 : i32
    %add3A_19 = arith.addi %add3A_4, %add3A_18 : i32
    %dma_start3A_20 = arith.constant 0 : i32
    %dma_start3A_21 = tpu.memref_slice %arg6[%dma_start3A_20] : memref<60624xf32, #tpu.memory_space<vmem>> -> memref<60624xf32, #tpu.memory_space<vmem>>
    %dma_start3A_22 = tpu.memref_slice %arg3[%add3A_19] : memref<12800000xf32, #tpu.memory_space<hbm>> -> memref<60624xf32, #tpu.memory_space<hbm>>
    %dma_start3A_23 = arith.constant 0 : i32
    %dma_start3A_24 = tpu.memref_slice %arg6[%dma_start3A_23] : memref<60624xf32, #tpu.memory_space<vmem>> -> memref<60624xf32, #tpu.memory_space<vmem>>
    %dma_start3A_25 = tpu.memref_slice %arg3[%add3A_19] : memref<12800000xf32, #tpu.memory_space<hbm>> -> memref<60624xf32, #tpu.memory_space<hbm>>
    tpu.enqueue_dma source(%dma_start3A_25 : memref<60624xf32, #tpu.memory_space<hbm>>) target(%dma_start3A_24 : memref<60624xf32, #tpu.memory_space<vmem>>) target_semaphore(%arg9 : memref<!tpu.dma_semaphore, #tpu.memory_space<semaphore_mem>>)
    %add3A_26 = arith.constant 0 : i32
    %add3A_27 = arith.addi %add3A_4, %add3A_26 : i32
    %dma_wait3A = arith.constant 0 : i32
    %dma_wait3A_28 = tpu.memref_slice %arg5[%dma_wait3A] : memref<60624xf32, #tpu.memory_space<vmem>> -> memref<32160xf32, #tpu.memory_space<vmem>>
    %dma_wait3A_29 = tpu.memref_slice %arg3[%add3A_27] : memref<12800000xf32, #tpu.memory_space<hbm>> -> memref<32160xf32, #tpu.memory_space<hbm>>
    %dma_wait3A_30 = arith.constant 0 : i32
    %dma_wait3A_31 = tpu.memref_slice %arg5[%dma_wait3A_30] : memref<60624xf32, #tpu.memory_space<vmem>> -> memref<32160xf32, #tpu.memory_space<vmem>>
    %dma_wait3A_32 = tpu.memref_slice %arg3[%add3A_27] : memref<12800000xf32, #tpu.memory_space<hbm>> -> memref<32160xf32, #tpu.memory_space<hbm>>
    tpu.wait_dma2 semaphore(%arg8 : memref<!tpu.dma_semaphore, #tpu.memory_space<semaphore_mem>>) src(%dma_wait3A_32 : memref<32160xf32, #tpu.memory_space<hbm>>) dst(%dma_wait3A_31 : memref<32160xf32, #tpu.memory_space<vmem>>)
    %add3A_33 = arith.constant 0 : i32
    %add3A_34 = arith.addi %mul3A_6, %add3A_33 : i32
    %dma_start3A_35 = arith.constant 0 : i32
    %dma_start3A_36 = tpu.memref_slice %arg5[%dma_start3A_35] : memref<60624xf32, #tpu.memory_space<vmem>> -> memref<32160xf32, #tpu.memory_space<vmem>>
    %dma_start3A_37 = tpu.memref_slice %arg4[%add3A_34] : memref<12800000xf32, #tpu.memory_space<hbm>> -> memref<32160xf32, #tpu.memory_space<hbm>>
    %dma_start3A_38 = tpu.memref_slice %arg4[%add3A_34] : memref<12800000xf32, #tpu.memory_space<hbm>> -> memref<32160xf32, #tpu.memory_space<hbm>>
    %dma_start3A_39 = arith.constant 0 : i32
    %dma_start3A_40 = tpu.memref_slice %arg5[%dma_start3A_39] : memref<60624xf32, #tpu.memory_space<vmem>> -> memref<32160xf32, #tpu.memory_space<vmem>>
    tpu.enqueue_dma source(%dma_start3A_40 : memref<32160xf32, #tpu.memory_space<vmem>>) target(%dma_start3A_38 : memref<32160xf32, #tpu.memory_space<hbm>>) target_semaphore(%arg10 : memref<!tpu.dma_semaphore, #tpu.memory_space<semaphore_mem>>)
    %add3A_41 = arith.constant 0 : i32
    %add3A_42 = arith.addi %mul3A_6, %add3A_41 : i32
    %dma_wait3A_43 = arith.constant 0 : i32
    %dma_wait3A_44 = tpu.memref_slice %arg5[%dma_wait3A_43] : memref<60624xf32, #tpu.memory_space<vmem>> -> memref<32160xf32, #tpu.memory_space<vmem>>
    %dma_wait3A_45 = tpu.memref_slice %arg4[%add3A_42] : memref<12800000xf32, #tpu.memory_space<hbm>> -> memref<32160xf32, #tpu.memory_space<hbm>>
    %dma_wait3A_46 = tpu.memref_slice %arg4[%add3A_42] : memref<12800000xf32, #tpu.memory_space<hbm>> -> memref<32160xf32, #tpu.memory_space<hbm>>
    %dma_wait3A_47 = arith.constant 0 : i32
    %dma_wait3A_48 = tpu.memref_slice %arg5[%dma_wait3A_47] : memref<60624xf32, #tpu.memory_space<vmem>> -> memref<32160xf32, #tpu.memory_space<vmem>>
    tpu.wait_dma2 semaphore(%arg10 : memref<!tpu.dma_semaphore, #tpu.memory_space<semaphore_mem>>) src(%dma_wait3A_48 : memref<32160xf32, #tpu.memory_space<vmem>>) dst(%dma_wait3A_46 : memref<32160xf32, #tpu.memory_space<hbm>>)
    %add3A_49 = arith.constant 92784 : i32
    %add3A_50 = arith.addi %add3A_4, %add3A_49 : i32
    %dma_start3A_51 = arith.constant 0 : i32
    %dma_start3A_52 = tpu.memref_slice %arg5[%dma_start3A_51] : memref<60624xf32, #tpu.memory_space<vmem>> -> memref<60624xf32, #tpu.memory_space<vmem>>
    %dma_start3A_53 = tpu.memref_slice %arg3[%add3A_50] : memref<12800000xf32, #tpu.memory_space<hbm>> -> memref<60624xf32, #tpu.memory_space<hbm>>
    %dma_start3A_54 = arith.constant 0 : i32
    %dma_start3A_55 = tpu.memref_slice %arg5[%dma_start3A_54] : memref<60624xf32, #tpu.memory_space<vmem>> -> memref<60624xf32, #tpu.memory_space<vmem>>
    %dma_start3A_56 = tpu.memref_slice %arg3[%add3A_50] : memref<12800000xf32, #tpu.memory_space<hbm>> -> memref<60624xf32, #tpu.memory_space<hbm>>
    tpu.enqueue_dma source(%dma_start3A_56 : memref<60624xf32, #tpu.memory_space<hbm>>) target(%dma_start3A_55 : memref<60624xf32, #tpu.memory_space<vmem>>) target_semaphore(%arg8 : memref<!tpu.dma_semaphore, #tpu.memory_space<semaphore_mem>>)
    %add3A_57 = arith.constant 32160 : i32
    %add3A_58 = arith.addi %add3A_4, %add3A_57 : i32
    %dma_wait3A_59 = arith.constant 0 : i32
    %dma_wait3A_60 = tpu.memref_slice %arg6[%dma_wait3A_59] : memref<60624xf32, #tpu.memory_space<vmem>> -> memref<60624xf32, #tpu.memory_space<vmem>>
    %dma_wait3A_61 = tpu.memref_slice %arg3[%add3A_58] : memref<12800000xf32, #tpu.memory_space<hbm>> -> memref<60624xf32, #tpu.memory_space<hbm>>
    %dma_wait3A_62 = arith.constant 0 : i32
    %dma_wait3A_63 = tpu.memref_slice %arg6[%dma_wait3A_62] : memref<60624xf32, #tpu.memory_space<vmem>> -> memref<60624xf32, #tpu.memory_space<vmem>>
    %dma_wait3A_64 = tpu.memref_slice %arg3[%add3A_58] : memref<12800000xf32, #tpu.memory_space<hbm>> -> memref<60624xf32, #tpu.memory_space<hbm>>
    tpu.wait_dma2 semaphore(%arg9 : memref<!tpu.dma_semaphore, #tpu.memory_space<semaphore_mem>>) src(%dma_wait3A_64 : memref<60624xf32, #tpu.memory_space<hbm>>) dst(%dma_wait3A_63 : memref<60624xf32, #tpu.memory_space<vmem>>)
    %add3A_65 = arith.constant 32160 : i32
    %add3A_66 = arith.addi %mul3A_6, %add3A_65 : i32
    %dma_start3A_67 = arith.constant 0 : i32
    %dma_start3A_68 = tpu.memref_slice %arg6[%dma_start3A_67] : memref<60624xf32, #tpu.memory_space<vmem>> -> memref<60624xf32, #tpu.memory_space<vmem>>
    %dma_start3A_69 = tpu.memref_slice %arg4[%add3A_66] : memref<12800000xf32, #tpu.memory_space<hbm>> -> memref<60624xf32, #tpu.memory_space<hbm>>
    %dma_start3A_70 = tpu.memref_slice %arg4[%add3A_66] : memref<12800000xf32, #tpu.memory_space<hbm>> -> memref<60624xf32, #tpu.memory_space<hbm>>
    %dma_start3A_71 = arith.constant 0 : i32
    %dma_start3A_72 = tpu.memref_slice %arg6[%dma_start3A_71] : memref<60624xf32, #tpu.memory_space<vmem>> -> memref<60624xf32, #tpu.memory_space<vmem>>
    tpu.enqueue_dma source(%dma_start3A_72 : memref<60624xf32, #tpu.memory_space<vmem>>) target(%dma_start3A_70 : memref<60624xf32, #tpu.memory_space<hbm>>) target_semaphore(%arg11 : memref<!tpu.dma_semaphore, #tpu.memory_space<semaphore_mem>>)
    %add3A_73 = arith.constant 32160 : i32
    %add3A_74 = arith.addi %mul3A_6, %add3A_73 : i32
    %dma_wait3A_75 = arith.constant 0 : i32
    %dma_wait3A_76 = tpu.memref_slice %arg6[%dma_wait3A_75] : memref<60624xf32, #tpu.memory_space<vmem>> -> memref<60624xf32, #tpu.memory_space<vmem>>
    %dma_wait3A_77 = tpu.memref_slice %arg4[%add3A_74] : memref<12800000xf32, #tpu.memory_space<hbm>> -> memref<60624xf32, #tpu.memory_space<hbm>>
    %dma_wait3A_78 = tpu.memref_slice %arg4[%add3A_74] : memref<12800000xf32, #tpu.memory_space<hbm>> -> memref<60624xf32, #tpu.memory_space<hbm>>
    %dma_wait3A_79 = arith.constant 0 : i32
    %dma_wait3A_80 = tpu.memref_slice %arg6[%dma_wait3A_79] : memref<60624xf32, #tpu.memory_space<vmem>> -> memref<60624xf32, #tpu.memory_space<vmem>>
    tpu.wait_dma2 semaphore(%arg11 : memref<!tpu.dma_semaphore, #tpu.memory_space<semaphore_mem>>) src(%dma_wait3A_80 : memref<60624xf32, #tpu.memory_space<vmem>>) dst(%dma_wait3A_78 : memref<60624xf32, #tpu.memory_space<hbm>>)
    %add3A_81 = arith.constant 153408 : i32
    %add3A_82 = arith.addi %add3A_4, %add3A_81 : i32
    %dma_start3A_83 = arith.constant 0 : i32
    %dma_start3A_84 = tpu.memref_slice %arg6[%dma_start3A_83] : memref<60624xf32, #tpu.memory_space<vmem>> -> memref<60624xf32, #tpu.memory_space<vmem>>
    %dma_start3A_85 = tpu.memref_slice %arg3[%add3A_82] : memref<12800000xf32, #tpu.memory_space<hbm>> -> memref<60624xf32, #tpu.memory_space<hbm>>
    %dma_start3A_86 = arith.constant 0 : i32
    %dma_start3A_87 = tpu.memref_slice %arg6[%dma_start3A_86] : memref<60624xf32, #tpu.memory_space<vmem>> -> memref<60624xf32, #tpu.memory_space<vmem>>
    %dma_start3A_88 = tpu.memref_slice %arg3[%add3A_82] : memref<12800000xf32, #tpu.memory_space<hbm>> -> memref<60624xf32, #tpu.memory_space<hbm>>
    tpu.enqueue_dma source(%dma_start3A_88 : memref<60624xf32, #tpu.memory_space<hbm>>) target(%dma_start3A_87 : memref<60624xf32, #tpu.memory_space<vmem>>) target_semaphore(%arg9 : memref<!tpu.dma_semaphore, #tpu.memory_space<semaphore_mem>>)
    %add3A_89 = arith.constant 92784 : i32
    %add3A_90 = arith.addi %add3A_4, %add3A_89 : i32
    %dma_wait3A_91 = arith.constant 0 : i32
    %dma_wait3A_92 = tpu.memref_slice %arg5[%dma_wait3A_91] : memref<60624xf32, #tpu.memory_space<vmem>> -> memref<60624xf32, #tpu.memory_space<vmem>>
    %dma_wait3A_93 = tpu.memref_slice %arg3[%add3A_90] : memref<12800000xf32, #tpu.memory_space<hbm>> -> memref<60624xf32, #tpu.memory_space<hbm>>
    %dma_wait3A_94 = arith.constant 0 : i32
    %dma_wait3A_95 = tpu.memref_slice %arg5[%dma_wait3A_94] : memref<60624xf32, #tpu.memory_space<vmem>> -> memref<60624xf32, #tpu.memory_space<vmem>>
    %dma_wait3A_96 = tpu.memref_slice %arg3[%add3A_90] : memref<12800000xf32, #tpu.memory_space<hbm>> -> memref<60624xf32, #tpu.memory_space<hbm>>
    tpu.wait_dma2 semaphore(%arg8 : memref<!tpu.dma_semaphore, #tpu.memory_space<semaphore_mem>>) src(%dma_wait3A_96 : memref<60624xf32, #tpu.memory_space<hbm>>) dst(%dma_wait3A_95 : memref<60624xf32, #tpu.memory_space<vmem>>)
    %add3A_97 = arith.constant 92784 : i32
    %add3A_98 = arith.addi %mul3A_6, %add3A_97 : i32
    %dma_start3A_99 = arith.constant 0 : i32
    %dma_start3A_100 = tpu.memref_slice %arg5[%dma_start3A_99] : memref<60624xf32, #tpu.memory_space<vmem>> -> memref<60624xf32, #tpu.memory_space<vmem>>
    %dma_start3A_101 = tpu.memref_slice %arg4[%add3A_98] : memref<12800000xf32, #tpu.memory_space<hbm>> -> memref<60624xf32, #tpu.memory_space<hbm>>
    %dma_start3A_102 = tpu.memref_slice %arg4[%add3A_98] : memref<12800000xf32, #tpu.memory_space<hbm>> -> memref<60624xf32, #tpu.memory_space<hbm>>
    %dma_start3A_103 = arith.constant 0 : i32
    %dma_start3A_104 = tpu.memref_slice %arg5[%dma_start3A_103] : memref<60624xf32, #tpu.memory_space<vmem>> -> memref<60624xf32, #tpu.memory_space<vmem>>
    tpu.enqueue_dma source(%dma_start3A_104 : memref<60624xf32, #tpu.memory_space<vmem>>) target(%dma_start3A_102 : memref<60624xf32, #tpu.memory_space<hbm>>) target_semaphore(%arg10 : memref<!tpu.dma_semaphore, #tpu.memory_space<semaphore_mem>>)
    %add3A_105 = arith.constant 92784 : i32
    %add3A_106 = arith.addi %mul3A_6, %add3A_105 : i32
    %dma_wait3A_107 = arith.constant 0 : i32
    %dma_wait3A_108 = tpu.memref_slice %arg5[%dma_wait3A_107] : memref<60624xf32, #tpu.memory_space<vmem>> -> memref<60624xf32, #tpu.memory_space<vmem>>
    %dma_wait3A_109 = tpu.memref_slice %arg4[%add3A_106] : memref<12800000xf32, #tpu.memory_space<hbm>> -> memref<60624xf32, #tpu.memory_space<hbm>>
    %dma_wait3A_110 = tpu.memref_slice %arg4[%add3A_106] : memref<12800000xf32, #tpu.memory_space<hbm>> -> memref<60624xf32, #tpu.memory_space<hbm>>
    %dma_wait3A_111 = arith.constant 0 : i32
    %dma_wait3A_112 = tpu.memref_slice %arg5[%dma_wait3A_111] : memref<60624xf32, #tpu.memory_space<vmem>> -> memref<60624xf32, #tpu.memory_space<vmem>>
    tpu.wait_dma2 semaphore(%arg10 : memref<!tpu.dma_semaphore, #tpu.memory_space<semaphore_mem>>) src(%dma_wait3A_112 : memref<60624xf32, #tpu.memory_space<vmem>>) dst(%dma_wait3A_110 : memref<60624xf32, #tpu.memory_space<hbm>>)
    %add3A_113 = arith.constant 214032 : i32
    %add3A_114 = arith.addi %add3A_4, %add3A_113 : i32
    %dma_start3A_115 = arith.constant 0 : i32
    %dma_start3A_116 = tpu.memref_slice %arg5[%dma_start3A_115] : memref<60624xf32, #tpu.memory_space<vmem>> -> memref<60624xf32, #tpu.memory_space<vmem>>
    %dma_start3A_117 = tpu.memref_slice %arg3[%add3A_114] : memref<12800000xf32, #tpu.memory_space<hbm>> -> memref<60624xf32, #tpu.memory_space<hbm>>
    %dma_start3A_118 = arith.constant 0 : i32
    %dma_start3A_119 = tpu.memref_slice %arg5[%dma_start3A_118] : memref<60624xf32, #tpu.memory_space<vmem>> -> memref<60624xf32, #tpu.memory_space<vmem>>
    %dma_start3A_120 = tpu.memref_slice %arg3[%add3A_114] : memref<12800000xf32, #tpu.memory_space<hbm>> -> memref<60624xf32, #tpu.memory_space<hbm>>
    tpu.enqueue_dma source(%dma_start3A_120 : memref<60624xf32, #tpu.memory_space<hbm>>) target(%dma_start3A_119 : memref<60624xf32, #tpu.memory_space<vmem>>) target_semaphore(%arg8 : memref<!tpu.dma_semaphore, #tpu.memory_space<semaphore_mem>>)
    %add3A_121 = arith.constant 153408 : i32
    %add3A_122 = arith.addi %add3A_4, %add3A_121 : i32
    %dma_wait3A_123 = arith.constant 0 : i32
    %dma_wait3A_124 = tpu.memref_slice %arg6[%dma_wait3A_123] : memref<60624xf32, #tpu.memory_space<vmem>> -> memref<60624xf32, #tpu.memory_space<vmem>>
    %dma_wait3A_125 = tpu.memref_slice %arg3[%add3A_122] : memref<12800000xf32, #tpu.memory_space<hbm>> -> memref<60624xf32, #tpu.memory_space<hbm>>
    %dma_wait3A_126 = arith.constant 0 : i32
    %dma_wait3A_127 = tpu.memref_slice %arg6[%dma_wait3A_126] : memref<60624xf32, #tpu.memory_space<vmem>> -> memref<60624xf32, #tpu.memory_space<vmem>>
    %dma_wait3A_128 = tpu.memref_slice %arg3[%add3A_122] : memref<12800000xf32, #tpu.memory_space<hbm>> -> memref<60624xf32, #tpu.memory_space<hbm>>
    tpu.wait_dma2 semaphore(%arg9 : memref<!tpu.dma_semaphore, #tpu.memory_space<semaphore_mem>>) src(%dma_wait3A_128 : memref<60624xf32, #tpu.memory_space<hbm>>) dst(%dma_wait3A_127 : memref<60624xf32, #tpu.memory_space<vmem>>)
    %add3A_129 = arith.constant 153408 : i32
    %add3A_130 = arith.addi %mul3A_6, %add3A_129 : i32
    %dma_start3A_131 = arith.constant 0 : i32
    %dma_start3A_132 = tpu.memref_slice %arg6[%dma_start3A_131] : memref<60624xf32, #tpu.memory_space<vmem>> -> memref<60624xf32, #tpu.memory_space<vmem>>
    %dma_start3A_133 = tpu.memref_slice %arg4[%add3A_130] : memref<12800000xf32, #tpu.memory_space<hbm>> -> memref<60624xf32, #tpu.memory_space<hbm>>
    %dma_start3A_134 = tpu.memref_slice %arg4[%add3A_130] : memref<12800000xf32, #tpu.memory_space<hbm>> -> memref<60624xf32, #tpu.memory_space<hbm>>
    %dma_start3A_135 = arith.constant 0 : i32
    %dma_start3A_136 = tpu.memref_slice %arg6[%dma_start3A_135] : memref<60624xf32, #tpu.memory_space<vmem>> -> memref<60624xf32, #tpu.memory_space<vmem>>
    tpu.enqueue_dma source(%dma_start3A_136 : memref<60624xf32, #tpu.memory_space<vmem>>) target(%dma_start3A_134 : memref<60624xf32, #tpu.memory_space<hbm>>) target_semaphore(%arg11 : memref<!tpu.dma_semaphore, #tpu.memory_space<semaphore_mem>>)
    %add3A_137 = arith.constant 153408 : i32
    %add3A_138 = arith.addi %mul3A_6, %add3A_137 : i32
    %dma_wait3A_139 = arith.constant 0 : i32
    %dma_wait3A_140 = tpu.memref_slice %arg6[%dma_wait3A_139] : memref<60624xf32, #tpu.memory_space<vmem>> -> memref<60624xf32, #tpu.memory_space<vmem>>
    %dma_wait3A_141 = tpu.memref_slice %arg4[%add3A_138] : memref<12800000xf32, #tpu.memory_space<hbm>> -> memref<60624xf32, #tpu.memory_space<hbm>>
    %dma_wait3A_142 = tpu.memref_slice %arg4[%add3A_138] : memref<12800000xf32, #tpu.memory_space<hbm>> -> memref<60624xf32, #tpu.memory_space<hbm>>
    %dma_wait3A_143 = arith.constant 0 : i32
    %dma_wait3A_144 = tpu.memref_slice %arg6[%dma_wait3A_143] : memref<60624xf32, #tpu.memory_space<vmem>> -> memref<60624xf32, #tpu.memory_space<vmem>>
    tpu.wait_dma2 semaphore(%arg11 : memref<!tpu.dma_semaphore, #tpu.memory_space<semaphore_mem>>) src(%dma_wait3A_144 : memref<60624xf32, #tpu.memory_space<vmem>>) dst(%dma_wait3A_142 : memref<60624xf32, #tpu.memory_space<hbm>>)
    %add3A_145 = arith.constant 274656 : i32
    %add3A_146 = arith.addi %add3A_4, %add3A_145 : i32
    %dma_start3A_147 = arith.constant 0 : i32
    %dma_start3A_148 = tpu.memref_slice %arg6[%dma_start3A_147] : memref<60624xf32, #tpu.memory_space<vmem>> -> memref<60624xf32, #tpu.memory_space<vmem>>
    %dma_start3A_149 = tpu.memref_slice %arg3[%add3A_146] : memref<12800000xf32, #tpu.memory_space<hbm>> -> memref<60624xf32, #tpu.memory_space<hbm>>
    %dma_start3A_150 = arith.constant 0 : i32
    %dma_start3A_151 = tpu.memref_slice %arg6[%dma_start3A_150] : memref<60624xf32, #tpu.memory_space<vmem>> -> memref<60624xf32, #tpu.memory_space<vmem>>
    %dma_start3A_152 = tpu.memref_slice %arg3[%add3A_146] : memref<12800000xf32, #tpu.memory_space<hbm>> -> memref<60624xf32, #tpu.memory_space<hbm>>
    tpu.enqueue_dma source(%dma_start3A_152 : memref<60624xf32, #tpu.memory_space<hbm>>) target(%dma_start3A_151 : memref<60624xf32, #tpu.memory_space<vmem>>) target_semaphore(%arg9 : memref<!tpu.dma_semaphore, #tpu.memory_space<semaphore_mem>>)
    %add3A_153 = arith.constant 214032 : i32
    %add3A_154 = arith.addi %add3A_4, %add3A_153 : i32
    %dma_wait3A_155 = arith.constant 0 : i32
    %dma_wait3A_156 = tpu.memref_slice %arg5[%dma_wait3A_155] : memref<60624xf32, #tpu.memory_space<vmem>> -> memref<60624xf32, #tpu.memory_space<vmem>>
    %dma_wait3A_157 = tpu.memref_slice %arg3[%add3A_154] : memref<12800000xf32, #tpu.memory_space<hbm>> -> memref<60624xf32, #tpu.memory_space<hbm>>
    %dma_wait3A_158 = arith.constant 0 : i32
    %dma_wait3A_159 = tpu.memref_slice %arg5[%dma_wait3A_158] : memref<60624xf32, #tpu.memory_space<vmem>> -> memref<60624xf32, #tpu.memory_space<vmem>>
    %dma_wait3A_160 = tpu.memref_slice %arg3[%add3A_154] : memref<12800000xf32, #tpu.memory_space<hbm>> -> memref<60624xf32, #tpu.memory_space<hbm>>
    tpu.wait_dma2 semaphore(%arg8 : memref<!tpu.dma_semaphore, #tpu.memory_space<semaphore_mem>>) src(%dma_wait3A_160 : memref<60624xf32, #tpu.memory_space<hbm>>) dst(%dma_wait3A_159 : memref<60624xf32, #tpu.memory_space<vmem>>)
    %add3A_161 = arith.constant 214032 : i32
    %add3A_162 = arith.addi %mul3A_6, %add3A_161 : i32
    %dma_start3A_163 = arith.constant 0 : i32
    %dma_start3A_164 = tpu.memref_slice %arg5[%dma_start3A_163] : memref<60624xf32, #tpu.memory_space<vmem>> -> memref<60624xf32, #tpu.memory_space<vmem>>
    %dma_start3A_165 = tpu.memref_slice %arg4[%add3A_162] : memref<12800000xf32, #tpu.memory_space<hbm>> -> memref<60624xf32, #tpu.memory_space<hbm>>
    %dma_start3A_166 = tpu.memref_slice %arg4[%add3A_162] : memref<12800000xf32, #tpu.memory_space<hbm>> -> memref<60624xf32, #tpu.memory_space<hbm>>
    %dma_start3A_167 = arith.constant 0 : i32
    %dma_start3A_168 = tpu.memref_slice %arg5[%dma_start3A_167] : memref<60624xf32, #tpu.memory_space<vmem>> -> memref<60624xf32, #tpu.memory_space<vmem>>
    tpu.enqueue_dma source(%dma_start3A_168 : memref<60624xf32, #tpu.memory_space<vmem>>) target(%dma_start3A_166 : memref<60624xf32, #tpu.memory_space<hbm>>) target_semaphore(%arg10 : memref<!tpu.dma_semaphore, #tpu.memory_space<semaphore_mem>>)
    %add3A_169 = arith.constant 214032 : i32
    %add3A_170 = arith.addi %mul3A_6, %add3A_169 : i32
    %dma_wait3A_171 = arith.constant 0 : i32
    %dma_wait3A_172 = tpu.memref_slice %arg5[%dma_wait3A_171] : memref<60624xf32, #tpu.memory_space<vmem>> -> memref<60624xf32, #tpu.memory_space<vmem>>
    %dma_wait3A_173 = tpu.memref_slice %arg4[%add3A_170] : memref<12800000xf32, #tpu.memory_space<hbm>> -> memref<60624xf32, #tpu.memory_space<hbm>>
    %dma_wait3A_174 = tpu.memref_slice %arg4[%add3A_170] : memref<12800000xf32, #tpu.memory_space<hbm>> -> memref<60624xf32, #tpu.memory_space<hbm>>
    %dma_wait3A_175 = arith.constant 0 : i32
    %dma_wait3A_176 = tpu.memref_slice %arg5[%dma_wait3A_175] : memref<60624xf32, #tpu.memory_space<vmem>> -> memref<60624xf32, #tpu.memory_space<vmem>>
    tpu.wait_dma2 semaphore(%arg10 : memref<!tpu.dma_semaphore, #tpu.memory_space<semaphore_mem>>) src(%dma_wait3A_176 : memref<60624xf32, #tpu.memory_space<vmem>>) dst(%dma_wait3A_174 : memref<60624xf32, #tpu.memory_space<hbm>>)
    %add3A_177 = arith.constant 335280 : i32
    %add3A_178 = arith.addi %add3A_4, %add3A_177 : i32
    %dma_start3A_179 = arith.constant 0 : i32
    %dma_start3A_180 = tpu.memref_slice %arg5[%dma_start3A_179] : memref<60624xf32, #tpu.memory_space<vmem>> -> memref<60624xf32, #tpu.memory_space<vmem>>
    %dma_start3A_181 = tpu.memref_slice %arg3[%add3A_178] : memref<12800000xf32, #tpu.memory_space<hbm>> -> memref<60624xf32, #tpu.memory_space<hbm>>
    %dma_start3A_182 = arith.constant 0 : i32
    %dma_start3A_183 = tpu.memref_slice %arg5[%dma_start3A_182] : memref<60624xf32, #tpu.memory_space<vmem>> -> memref<60624xf32, #tpu.memory_space<vmem>>
    %dma_start3A_184 = tpu.memref_slice %arg3[%add3A_178] : memref<12800000xf32, #tpu.memory_space<hbm>> -> memref<60624xf32, #tpu.memory_space<hbm>>
    tpu.enqueue_dma source(%dma_start3A_184 : memref<60624xf32, #tpu.memory_space<hbm>>) target(%dma_start3A_183 : memref<60624xf32, #tpu.memory_space<vmem>>) target_semaphore(%arg8 : memref<!tpu.dma_semaphore, #tpu.memory_space<semaphore_mem>>)
    %add3A_185 = arith.constant 274656 : i32
    %add3A_186 = arith.addi %add3A_4, %add3A_185 : i32
    %dma_wait3A_187 = arith.constant 0 : i32
    %dma_wait3A_188 = tpu.memref_slice %arg6[%dma_wait3A_187] : memref<60624xf32, #tpu.memory_space<vmem>> -> memref<60624xf32, #tpu.memory_space<vmem>>
    %dma_wait3A_189 = tpu.memref_slice %arg3[%add3A_186] : memref<12800000xf32, #tpu.memory_space<hbm>> -> memref<60624xf32, #tpu.memory_space<hbm>>
    %dma_wait3A_190 = arith.constant 0 : i32
    %dma_wait3A_191 = tpu.memref_slice %arg6[%dma_wait3A_190] : memref<60624xf32, #tpu.memory_space<vmem>> -> memref<60624xf32, #tpu.memory_space<vmem>>
    %dma_wait3A_192 = tpu.memref_slice %arg3[%add3A_186] : memref<12800000xf32, #tpu.memory_space<hbm>> -> memref<60624xf32, #tpu.memory_space<hbm>>
    tpu.wait_dma2 semaphore(%arg9 : memref<!tpu.dma_semaphore, #tpu.memory_space<semaphore_mem>>) src(%dma_wait3A_192 : memref<60624xf32, #tpu.memory_space<hbm>>) dst(%dma_wait3A_191 : memref<60624xf32, #tpu.memory_space<vmem>>)
    %add3A_193 = arith.constant 274656 : i32
    %add3A_194 = arith.addi %mul3A_6, %add3A_193 : i32
    %dma_start3A_195 = arith.constant 0 : i32
    %dma_start3A_196 = tpu.memref_slice %arg6[%dma_start3A_195] : memref<60624xf32, #tpu.memory_space<vmem>> -> memref<60624xf32, #tpu.memory_space<vmem>>
    %dma_start3A_197 = tpu.memref_slice %arg4[%add3A_194] : memref<12800000xf32, #tpu.memory_space<hbm>> -> memref<60624xf32, #tpu.memory_space<hbm>>
    %dma_start3A_198 = tpu.memref_slice %arg4[%add3A_194] : memref<12800000xf32, #tpu.memory_space<hbm>> -> memref<60624xf32, #tpu.memory_space<hbm>>
    %dma_start3A_199 = arith.constant 0 : i32
    %dma_start3A_200 = tpu.memref_slice %arg6[%dma_start3A_199] : memref<60624xf32, #tpu.memory_space<vmem>> -> memref<60624xf32, #tpu.memory_space<vmem>>
    tpu.enqueue_dma source(%dma_start3A_200 : memref<60624xf32, #tpu.memory_space<vmem>>) target(%dma_start3A_198 : memref<60624xf32, #tpu.memory_space<hbm>>) target_semaphore(%arg11 : memref<!tpu.dma_semaphore, #tpu.memory_space<semaphore_mem>>)
    %add3A_201 = arith.constant 335280 : i32
    %add3A_202 = arith.addi %add3A_4, %add3A_201 : i32
    %dma_wait3A_203 = arith.constant 0 : i32
    %dma_wait3A_204 = tpu.memref_slice %arg5[%dma_wait3A_203] : memref<60624xf32, #tpu.memory_space<vmem>> -> memref<60624xf32, #tpu.memory_space<vmem>>
    %dma_wait3A_205 = tpu.memref_slice %arg3[%add3A_202] : memref<12800000xf32, #tpu.memory_space<hbm>> -> memref<60624xf32, #tpu.memory_space<hbm>>
    %dma_wait3A_206 = arith.constant 0 : i32
    %dma_wait3A_207 = tpu.memref_slice %arg5[%dma_wait3A_206] : memref<60624xf32, #tpu.memory_space<vmem>> -> memref<60624xf32, #tpu.memory_space<vmem>>
    %dma_wait3A_208 = tpu.memref_slice %arg3[%add3A_202] : memref<12800000xf32, #tpu.memory_space<hbm>> -> memref<60624xf32, #tpu.memory_space<hbm>>
    tpu.wait_dma2 semaphore(%arg8 : memref<!tpu.dma_semaphore, #tpu.memory_space<semaphore_mem>>) src(%dma_wait3A_208 : memref<60624xf32, #tpu.memory_space<hbm>>) dst(%dma_wait3A_207 : memref<60624xf32, #tpu.memory_space<vmem>>)
    %add3A_209 = arith.constant 335280 : i32
    %add3A_210 = arith.addi %mul3A_6, %add3A_209 : i32
    %dma_start3A_211 = arith.constant 0 : i32
    %dma_start3A_212 = tpu.memref_slice %arg5[%dma_start3A_211] : memref<60624xf32, #tpu.memory_space<vmem>> -> memref<60624xf32, #tpu.memory_space<vmem>>
    %dma_start3A_213 = tpu.memref_slice %arg4[%add3A_210] : memref<12800000xf32, #tpu.memory_space<hbm>> -> memref<60624xf32, #tpu.memory_space<hbm>>
    %dma_start3A_214 = tpu.memref_slice %arg4[%add3A_210] : memref<12800000xf32, #tpu.memory_space<hbm>> -> memref<60624xf32, #tpu.memory_space<hbm>>
    %dma_start3A_215 = arith.constant 0 : i32
    %dma_start3A_216 = tpu.memref_slice %arg5[%dma_start3A_215] : memref<60624xf32, #tpu.memory_space<vmem>> -> memref<60624xf32, #tpu.memory_space<vmem>>
    tpu.enqueue_dma source(%dma_start3A_216 : memref<60624xf32, #tpu.memory_space<vmem>>) target(%dma_start3A_214 : memref<60624xf32, #tpu.memory_space<hbm>>) target_semaphore(%arg10 : memref<!tpu.dma_semaphore, #tpu.memory_space<semaphore_mem>>)
    %dma_wait3A_217 = tpu.memref_slice %arg2[%mul3A_8] : memref<131072xf32, #tpu.memory_space<hbm>> -> memref<4096xf32, #tpu.memory_space<hbm>>
    %dma_wait3A_218 = tpu.memref_slice %arg2[%mul3A_8] : memref<131072xf32, #tpu.memory_space<hbm>> -> memref<4096xf32, #tpu.memory_space<hbm>>
    tpu.wait_dma2 semaphore(%arg12 : memref<!tpu.dma_semaphore, #tpu.memory_space<semaphore_mem>>) src(%dma_wait3A_218 : memref<4096xf32, #tpu.memory_space<hbm>>) dst(%arg7 : memref<4096xf32, #tpu.memory_space<vmem>>)
    %mul3A_219 = arith.constant 4096 : i32
    %mul3A_220 = arith.muli %add3A, %mul3A_219 : i32
    %add3A_221 = arith.constant 12668928 : i32
    %add3A_222 = arith.addi %add3A_221, %mul3A_220 : i32
    %dma_start3A_223 = tpu.memref_slice %arg4[%add3A_222] : memref<12800000xf32, #tpu.memory_space<hbm>> -> memref<4096xf32, #tpu.memory_space<hbm>>
    %dma_start3A_224 = tpu.memref_slice %arg4[%add3A_222] : memref<12800000xf32, #tpu.memory_space<hbm>> -> memref<4096xf32, #tpu.memory_space<hbm>>
    tpu.enqueue_dma source(%arg7 : memref<4096xf32, #tpu.memory_space<vmem>>) target(%dma_start3A_224 : memref<4096xf32, #tpu.memory_space<hbm>>) target_semaphore(%arg12 : memref<!tpu.dma_semaphore, #tpu.memory_space<semaphore_mem>>)
    %add3A_225 = arith.constant 274656 : i32
    %add3A_226 = arith.addi %mul3A_6, %add3A_225 : i32
    %dma_wait3A_227 = arith.constant 0 : i32
    %dma_wait3A_228 = tpu.memref_slice %arg6[%dma_wait3A_227] : memref<60624xf32, #tpu.memory_space<vmem>> -> memref<60624xf32, #tpu.memory_space<vmem>>
    %dma_wait3A_229 = tpu.memref_slice %arg4[%add3A_226] : memref<12800000xf32, #tpu.memory_space<hbm>> -> memref<60624xf32, #tpu.memory_space<hbm>>
    %dma_wait3A_230 = tpu.memref_slice %arg4[%add3A_226] : memref<12800000xf32, #tpu.memory_space<hbm>> -> memref<60624xf32, #tpu.memory_space<hbm>>
    %dma_wait3A_231 = arith.constant 0 : i32
    %dma_wait3A_232 = tpu.memref_slice %arg6[%dma_wait3A_231] : memref<60624xf32, #tpu.memory_space<vmem>> -> memref<60624xf32, #tpu.memory_space<vmem>>
    tpu.wait_dma2 semaphore(%arg11 : memref<!tpu.dma_semaphore, #tpu.memory_space<semaphore_mem>>) src(%dma_wait3A_232 : memref<60624xf32, #tpu.memory_space<vmem>>) dst(%dma_wait3A_230 : memref<60624xf32, #tpu.memory_space<hbm>>)
    %add3A_233 = arith.constant 335280 : i32
    %add3A_234 = arith.addi %mul3A_6, %add3A_233 : i32
    %dma_wait3A_235 = arith.constant 0 : i32
    %dma_wait3A_236 = tpu.memref_slice %arg5[%dma_wait3A_235] : memref<60624xf32, #tpu.memory_space<vmem>> -> memref<60624xf32, #tpu.memory_space<vmem>>
    %dma_wait3A_237 = tpu.memref_slice %arg4[%add3A_234] : memref<12800000xf32, #tpu.memory_space<hbm>> -> memref<60624xf32, #tpu.memory_space<hbm>>
    %dma_wait3A_238 = tpu.memref_slice %arg4[%add3A_234] : memref<12800000xf32, #tpu.memory_space<hbm>> -> memref<60624xf32, #tpu.memory_space<hbm>>
    %dma_wait3A_239 = arith.constant 0 : i32
    %dma_wait3A_240 = tpu.memref_slice %arg5[%dma_wait3A_239] : memref<60624xf32, #tpu.memory_space<vmem>> -> memref<60624xf32, #tpu.memory_space<vmem>>
    tpu.wait_dma2 semaphore(%arg10 : memref<!tpu.dma_semaphore, #tpu.memory_space<semaphore_mem>>) src(%dma_wait3A_240 : memref<60624xf32, #tpu.memory_space<vmem>>) dst(%dma_wait3A_238 : memref<60624xf32, #tpu.memory_space<hbm>>)
    %dma_wait3A_241 = tpu.memref_slice %arg4[%add3A_222] : memref<12800000xf32, #tpu.memory_space<hbm>> -> memref<4096xf32, #tpu.memory_space<hbm>>
    %dma_wait3A_242 = tpu.memref_slice %arg4[%add3A_222] : memref<12800000xf32, #tpu.memory_space<hbm>> -> memref<4096xf32, #tpu.memory_space<hbm>>
    tpu.wait_dma2 semaphore(%arg12 : memref<!tpu.dma_semaphore, #tpu.memory_space<semaphore_mem>>) src(%arg7 : memref<4096xf32, #tpu.memory_space<vmem>>) dst(%dma_wait3A_242 : memref<4096xf32, #tpu.memory_space<hbm>>)
    return
  }
}

</mosaic_0001>

<sc_bundles>
// kernel: kernel.3.cloned.1.call-start
scs
__scs_entry_jumppad:
0x0: {  	(pc) =	sbr.rel $0x88, $3  }
0x1: {  	(tag) =	ssettag $0x0;
	lr =	simm.s32 $0x1  }
0x2: {  	[smem:$0x3F9F] =	sst lr;
	_ =	strace $0xD0000000  }
0x3: {  	_ = 	snop  }
0x4: {  	_ = 	snop  }
0x5: {  	_ = 	snop  }
0x6: {  	_ = 	snop  }
0x7: {  	_ = 	snop  }
__scs_overlays_trampoline_lowered:
0x8: {  	[smem:$0x3FAE] =	sst s0  }
0x9: {  	[smem:$0x3FAF] =	sst s1  }
0xa: {  	[smem:$0x3FB0] =	sst s2  }
0xb: {  	[smem:$0x3FB1] =	sst s3  }
0xc: {  	[smem:$0x3FB2] =	sst s4  }
0xd: {  	[smem:$0x3FB3] =	sst s5  }
0xe: {  	[smem:$0x3FB4] =	sst s6  }
0xf: {  	[smem:$0x3FB5] =	sst s7  }
0x10: {  	[smem:$0x3FB6] =	sst s8  }
0x11: {  	[smem:$0x3FB7] =	sst s9;
	s0 =	simm.s32 @!p0 $0x0  }
0x12: {  	s1 =	sld [smem:$0x3F9D];
	s0 =	simm.s32 @p0 $0x1  }
0x13: {  	[smem:$0x3FB8] =	sst s0;
	s0 =	simm.s32 @!p1 $0x0  }
0x14: {  	s2 =	sld [smem:$0x3F9C];
	s0 =	simm.s32 @p1 $0x1  }
0x15: {  	[smem:$0x3FB9] =	sst s0;
	s0 =	simm.s32 @!p2 $0x0  }
0x16: {  	s3 =	sld [smem:$0x3FDB];
	s0 =	simm.s32 @p2 $0x1  }
0x17: {  	s4 =	simm.s32 $0x1BF5;
	[smem:$0x3FBB] =	sst s0  }
0x18: {  	s0 =	sld [smem:$0x3F9E];
	_ =	swait.ge [sflag:s4], $0x0  }
0x19: {  	s7 =	sld [smem:$0x3F9F]  }
0x1a: {  	s8 =	sadd.s32 $0xFFFFE003, lr  }
0x1b: {  	s9 =	sadd.s32 $0xFFFFFEF7, lr;
	s5 =	simm.s32 $0xFFFFFFFF;
	p2 =	slt.u32 s8, $0xFFFFF086  }
0x1c: {  	p1 =	slt.u32 s9, $0xF7A;
	s5 =	simm.s32 @!p2 $0x0  }
0x1d: {  	s5 =	simm.s32 @p1 $0x1;
	p0 =	seq.s32 s7, s2  }
0x1e: {  	s7 =	smul.u32 @!p0 $0xF7A, s2;
	p2 =	seq.s32 @!p0 s5, $0x0  }
0x1f: {  	s9 =	smul.u32 $0xF7A, s1;
	s8 =	simm.s32 @!p0 $0x1BF5;
	p2 =	por !p2, p0  }
0x20: {  	[sflag:s8] =	ssyncset.s32 @!p0 $0xFFFFF086;
	s6 =	sadd.s32 @!p0 s3, s7;
	s7 =	simm.s32 @!p0 $0x108  }
0x21: {  	s3 =	sadd.s32 s3, s9;
	s6 =	sadd.s32 @!p0 $0x88, s6;
	s7 =	simm.s32 @p2 $0x1082  }
0x22: {  	[simem:s7], [sflag:s8] =	dma.local @!p0 [hbm:s6], $0xF7A  }
0x23: {  	s9 =	sor.u32 $0xD0000000, s2;
	s6 =	simm.s32 $0x108;
	_ =	swait.ge @!p0 [sflag:s8], $0x0  }
0x24: {  	s3 =	sadd.s32 $0x88, s3;
	s6 =	simm.s32 @!p1 $0x1082;
	[sflag:s4] =	ssyncset.s32 $0xFFFFF086  }
0x25: {  	[simem:s6], [sflag:s4] =	dma.local [hbm:s3], $0xF7A  }
0x26: {  	[smem:$0x3F9F] =	sst s1;
	(tag) =	ssettag s2;
	_ =	strace s9  }
0x27: {  	s1 =	sld [smem:$0x3FAF]  }
0x28: {  	s2 =	sld [smem:$0x3FB0]  }
0x29: {  	s4 =	sld [smem:$0x3FB2]  }
0x2a: {  	p0 =	seq.s32 s5, $0x0;
	s5 =	sld [smem:$0x3FB3]  }
0x2b: {  	s6 =	sld [smem:$0x3FB4]  }
0x2c: {  	s7 =	sld [smem:$0x3FB5]  }
0x2d: {  	s3 =	simm.s32 $0x108;
	s8 =	sld [smem:$0x3FB6]  }
0x2e: {  	s3 =	simm.s32 @!p0 $0x1082;
	s9 =	sld [smem:$0x3FB7]  }
0x2f: {  	lr =	sadd.s32 s0, s3;
	s0 =	sld [smem:$0x3FAE]  }
0x30: {  	s3 =	sld [smem:$0x3FB1]  }
0x31: {  	[smem:$0x3FBA] =	sst s10  }
0x32: {  	s10 =	sld [smem:$0x3FB8];
	_ =	sdelay $0x3  }
0x33: {  	p0 =	seq.s32 s10, $0x1;
	s10 =	sld [smem:$0x3FBA];
	_ =	sdelay $0x3  }
0x34: {  	[smem:$0x3FBA] =	sst s10  }
0x35: {  	s10 =	sld [smem:$0x3FB9];
	_ =	sdelay $0x3  }
0x36: {  	p1 =	seq.s32 s10, $0x1;
	s10 =	sld [smem:$0x3FBA];
	_ =	sdelay $0x3  }
0x37: {  	[smem:$0x3FBA] =	sst s10  }
0x38: {  	s10 =	sld [smem:$0x3FBB]  }
0x39: {  	_ = 	snop;
	(pc) =	sbr.ind lr, $3  }
0x3a: {  	_ = 	snop  }
0x3b: {  	_ = 	snop  }
0x3c: {  	p2 =	seq.s32 s10, $0x1;
	s10 =	sld [smem:$0x3FBA]  }
0x3d: {  	_ =	shalt  }
0x3e: {  	_ =	shalt  }
0x3f: {  	_ =	shalt  }
0x40: {  	_ =	shalt  }
0x41: {  	_ =	shalt  }
0x42: {  	_ =	shalt  }
0x43: {  	_ =	shalt  }
0x44: {  	_ =	shalt  }
0x45: {  	_ =	shalt  }
0x46: {  	_ =	shalt  }
0x47: {  	_ =	shalt  }
0x48: {  	_ =	shalt  }
0x49: {  	_ =	shalt  }
0x4a: {  	_ =	shalt  }
0x4b: {  	_ =	shalt  }
0x4c: {  	_ =	shalt  }
0x4d: {  	_ =	shalt  }
0x4e: {  	_ =	shalt  }
0x4f: {  	_ =	shalt  }
0x50: {  	_ =	shalt  }
0x51: {  	_ =	shalt  }
0x52: {  	_ =	shalt  }
0x53: {  	_ =	shalt  }
0x54: {  	_ =	shalt  }
0x55: {  	_ =	shalt  }
0x56: {  	_ =	shalt  }
0x57: {  	_ =	shalt  }
0x58: {  	_ =	shalt  }
0x59: {  	_ =	shalt  }
0x5a: {  	_ =	shalt  }
0x5b: {  	_ =	shalt  }
0x5c: {  	_ =	shalt  }
0x5d: {  	_ =	shalt  }
0x5e: {  	_ =	shalt  }
0x5f: {  	_ =	shalt  }
0x60: {  	_ =	shalt  }
0x61: {  	_ =	shalt  }
0x62: {  	_ =	shalt  }
0x63: {  	_ =	shalt  }
0x64: {  	_ =	shalt  }
0x65: {  	_ =	shalt  }
0x66: {  	_ =	shalt  }
0x67: {  	_ =	shalt  }
0x68: {  	_ =	shalt  }
0x69: {  	_ =	shalt  }
0x6a: {  	_ =	shalt  }
0x6b: {  	_ =	shalt  }
0x6c: {  	_ =	shalt  }
0x6d: {  	_ =	shalt  }
0x6e: {  	_ =	shalt  }
0x6f: {  	_ =	shalt  }
0x70: {  	_ =	shalt  }
0x71: {  	_ =	shalt  }
0x72: {  	_ =	shalt  }
0x73: {  	_ =	shalt  }
0x74: {  	_ =	shalt  }
0x75: {  	_ =	shalt  }
0x76: {  	_ =	shalt  }
0x77: {  	_ =	shalt  }
0x78: {  	_ =	shalt  }
0x79: {  	_ =	shalt  }
0x7a: {  	_ =	shalt  }
0x7b: {  	_ =	shalt  }
0x7c: {  	_ =	shalt  }
0x7d: {  	_ =	shalt  }
0x7e: {  	_ =	shalt  }
0x7f: {  	_ =	shalt  }
0x80: {  	_ =	shalt  }
0x81: {  	_ =	shalt  }
0x82: {  	_ =	shalt  }
0x83: {  	_ =	shalt  }
0x84: {  	_ =	shalt  }
0x85: {  	_ =	shalt  }
0x86: {  	_ =	shalt  }
0x87: {  	_ =	shalt  }
.Lfunc_end0:
.L_simem_size_0:
called_computation_lowered:
.L_overlay_start_0:
0x88: {  	s2 =	sld [smem:$0x3FD9]  }
0x89: {  	s3 =	sld [smem:$0x3FFE];
	_ =	sdelay $0x1  }
0x8a: {  	s1 =	srdreg.scid  }
0x8b: {  	s0 =	sand.u32 $0x1, s1  }
0x8c: {  	s18 =	sshll.u32 s0, $0xA;
	s2 =	sadd.s32 s3, s2  }
0x8d: {  	s2 =	sadd.s32 s2, s18  }
0x8e: {  	[smem:$0x3FC6] =	sst s2  }
0x8f: {  	_ = 	snop  }
0x90: {  	s2 =	sld [smem:$0x3FC9]  }
0x91: {  	s19 =	sld [smem:$0x3FC8]  }
0x92: {  	s4 =	sld [smem:$0x3FD0];
	(tm) =	ssettm $0x1  }
0x93: {  	s5 =	sld [smem:$0x3FFB];
	_ =	sdelay $0x3  }
0x94: {  	_ =	strace s5  }
0x95: {  	s5 =	sld [smem:$0x3FFC];
	_ =	sdelay $0x3  }
0x96: {  	_ =	strace s5  }
0x97: {  	s5 =	sld [smem:$0x3FFD];
	_ =	sdelay $0x3  }
0x98: {  	_ =	strace s5  }
0x99: {  	_ =	strace $0x8FFFFFFF  }
0x9a: {  	s20 =	sld [smem:$0x3FDB];
	_ =	sdelay $0x1  }
0x9b: {  	s6 =	simm.s32 $_scs_section_size  }
0x9c: {  	s7 =	simm.s32 $_size__tile_overlayer_lowered;
	s8 =	simm.s32 $_tile_overlayer_lowered  }
0x9d: {  	s23 =	simm.s32 $0x1BFF;
	s22 =	sshll.u32 s8, $0x1;
	s5 =	sadd.s32 s6, s20  }
0x9e: {  	s9 =	simm.s32 $0x0;
	s21 =	sshll.u32 s7, $0x1;
	s7 =	sadd.s32 s22, s5  }
0x9f: {  	[timem:s9], [sflag:s23] =	dma.local [hbm:s7], s21  }
0xa0: {  	_ =	swait.ge [sflag:s23], s21  }
0xa1: {  	s6 =	ssub.s32 $0x0, s21;
	[sflag:s23] =	ssyncset.done $0x0  }
0xa2: {  	[sflag:s23] =	ssyncadd.s32 s6;
	_ =	sdelay $0x1  }
0xa3: {  	s24 =	simm.s32 $0x1B8B  }
0xa4: {  	_ =	swait.ge [sflag:s24], $0x1  }
0xa5: {  	[sflag:s24] =	ssyncset.done $0x0  }
0xa6: {  	s25 =	simm.s32 $0x1B8E;
	[sflag:s24] =	ssyncadd.s32 $0xFFFFFFFF  }
0xa7: {  	s26 =	simm.s32 $execute0_lowered;
	[smem:$0x3FD2] =	sst s25  }
0xa8: {  	s6 =	sshll.u32 s26, $0x1;
	_ =	strace $0x80000046;
	[dreg:$0x1] =	wrdreg $0xFFFFFFFF  }
0xa9: {  	s28 =	simm.s32 $_size_execute0_lowered;
	s5 =	sadd.s32 s5, s6;
	[dreg:$0x0] =	wrdreg $0x0  }
0xaa: {  	s6 =	sshll.u32 s28, $0x1;
	[dreg:$0x2] =	wrdreg s5  }
0xab: {  	[dreg:$0x3] =	wrdreg s6  }
0xac: {  	[dreg:$0x4] =	wrdreg $0xC0  }
0xad: {  	_ =	task [dreg:s9], $0x5FFFF  }
0xae: {  	[dreg:$0x1] =	wrdreg $0xFFFFFFFF  }
0xaf: {  	[dreg:$0x0] =	wrdreg $0x60  }
0xb0: {  	[dreg:$0x2] =	wrdreg s2  }
0xb1: {  	[dreg:$0x3] =	wrdreg s19  }
0xb2: {  	[dreg:$0x4] =	wrdreg s4  }
0xb3: {  	[dreg:$0x5] =	wrdreg $0x9  }
0xb4: {  	_ =	task.clear_ibuf [dreg:s9], $0x6FFFF;
	_ =	strace $0x90000046  }
0xb5: {  	s29 =	simm.s32 $0x9;
	_ =	strace $0x80000048  }
0xb6: {  	_ =	swait.ge [sflag:s29], $0x1  }
0xb7: {  	[sflag:s29] =	ssyncadd.s32 $0xFFFFFFFF  }
0xb8: {  	_ =	strace $0x90000048  }
0xb9: {  	_ =	sfence  }
0xba: {  	s30 =	sld [smem:$0x0];
	_ =	sdelay $0x2  }
0xbb: {  	s31 =	sshll.u32 s1, $0xD;
	s1 =	sshrl.u32 s1, $0x2  }
0xbc: {  	s3 =	sand.u32 $0x4000, s31;
	s1 =	sadd.s32 s1, s30  }
0xbd: {  	s0 =	sor.u32 s3, s0;
	s1 =	sshll.u32 s1, $0x11  }
0xbe: {  	s0 =	sor.u32 s1, s0  }
0xbf: {  	s0 =	sadd.s32 $0x8F2B, s0  }
0xc0: {  	[sflag:s0] =	ssyncadd.remote.s32 $0x1  }
0xc1: {  	_ =	sfence.sel $0xFFFF  }
0xc2: {  	[dreg:$0x0] =	wrdreg $0xFFFFFFFF;
	(pc) =	sbr.abs _section_cstart, $3  }
0xc3: {  	[dreg:$0x1] =	wrdreg $0xFFFFFFFF  }
0xc4: {  	_ =	task.clear_ibuf [dreg:s9], $0x2FFFF;
	_ =	strace $0x9FFFFFFF  }
0xc5: {  	(tm) =	ssettm $0x7FFFFFFF  }
tec
execute0_lowered:
.L_overlay_start_1:
0x0: {  	(tag) =	ssettag $0x1  }
0x1: {  	s3 =	rddreg [dreg:$0x0]  }
0x2: {  	s1 =	srdreg.scid;
	s0 =	stileid.u32  }
0x3: {  	s4 =	rddreg [dreg:$0x1];
	s26 =	sand.u32 $0x1, s1;
	s30 =	sshll.u32 s0, $0x1  }
0x4: {  	s25 =	rddreg [dreg:$0x2];
	s5 =	sor.u32 s26, s30  }
0x5: {  	s2 =	simm.s32 $0x0;
	s1 =	rddreg [dreg:$0x3];
	s6 =	smul.u32 $0x60A80, s5  }
0x6: {  	[smem:$0x7FF] =	sst s2  }
0x7: {  	_ =	strace $0x80000047;
	s28 =	sshll.u32 s5, $0x9;
	s9 =	sshrl.u32 s6, $0x3  }
0x8: {  	s3 =	sadd.s32 s3, s28;
	s21 =	sadd.s32 s4, s9;
	s4 =	simm.s32 $0x1DA00  }
0x9: {  	[tilespmem:s4], [sflag:$0x5] =	stream.linear.gather [hbm4b:s3+s2], $0x1000, $0x38;
	[tilespmem:$0x1EA00] =	vst v63  }
0xa: {  	s5 =	sadd.s32 $0x4000, s21  }
0xb: {  	[tilespmem:s2], [sflag:$0x1] =	stream.linear.gather [hbm4b:s5+s2], $0x7DA0, $0x38;
	[tilespmem:$0x1EA00] =	vst v63  }
0xc: {  	s7 =	simm.s32 $0xED00;
	s8 =	simm.s32 $0x1;
	s6 =	sadd.s32 $0x4FB4, s21  }
0xd: {  	[tilespmem:s7], [sflag:$0x2] =	stream.linear.gather [hbm4b:s6+s2], $0xECD0, $0x38;
	[tilespmem:$0x1EA00] =	vst v63  }
0xe: {  	_ =	swait.ge [sflag:s8], $0x7DA0  }
0xf: {  	[sflag:s8] =	ssyncset.done $0x0  }
0x10: {  	s10 =	simm.s32 $0x3;
	s9 =	sadd.s32 s25, s9;
	[sflag:s8] =	ssyncadd.s32 $0xFFFF8260  }
0x11: {  	[hbm4b:s9+s2] =	stream.linear.scatter [tilespmem:s2], [sflag:$0x3], $0x7DA0, $0x38;
	[tilespmem:$0x1EA00] =	vst v63  }
0x12: {  	_ =	swait.ge [sflag:s10], $0x7DA0  }
0x13: {  	[sflag:s10] =	ssyncset.done $0x0  }
0x14: {  	s12 =	simm.s32 $0x2;
	s11 =	sadd.s32 $0x6D4E, s21;
	[sflag:s10] =	ssyncadd.s32 $0xFFFF8260  }
0x15: {  	[tilespmem:s2], [sflag:$0x1] =	stream.linear.gather [hbm4b:s11+s2], $0xECD0, $0x38;
	[tilespmem:$0x1EA00] =	vst v63  }
0x16: {  	_ =	swait.ge [sflag:s12], $0xECD0  }
0x17: {  	[sflag:s12] =	ssyncset.done $0x0  }
0x18: {  	s14 =	simm.s32 $0x4;
	s13 =	sadd.s32 $0xFB4, s9;
	[sflag:s12] =	ssyncadd.s32 $0xFFFF1330  }
0x19: {  	[hbm4b:s13+s2] =	stream.linear.scatter [tilespmem:s7], [sflag:$0x4], $0xECD0, $0x38;
	[tilespmem:$0x1EA00] =	vst v63  }
0x1a: {  	_ =	swait.ge [sflag:s14], $0xECD0  }
0x1b: {  	[sflag:s14] =	ssyncset.done $0x0  }
0x1c: {  	s15 =	sadd.s32 $0x8AE8, s21;
	[sflag:s14] =	ssyncadd.s32 $0xFFFF1330  }
0x1d: {  	[tilespmem:s7], [sflag:$0x2] =	stream.linear.gather [hbm4b:s15+s2], $0xECD0, $0x38;
	[tilespmem:$0x1EA00] =	vst v63  }
0x1e: {  	_ =	swait.ge [sflag:s8], $0xECD0  }
0x1f: {  	[sflag:s8] =	ssyncset.done $0x0  }
0x20: {  	s16 =	sadd.s32 $0x2D4E, s9;
	[sflag:s8] =	ssyncadd.s32 $0xFFFF1330  }
0x21: {  	[hbm4b:s16+s2] =	stream.linear.scatter [tilespmem:s2], [sflag:$0x3], $0xECD0, $0x38;
	[tilespmem:$0x1EA00] =	vst v63  }
0x22: {  	_ =	swait.ge [sflag:s10], $0xECD0  }
0x23: {  	[sflag:s10] =	ssyncset.done $0x0  }
0x24: {  	s17 =	sadd.s32 $0xA882, s21;
	[sflag:s10] =	ssyncadd.s32 $0xFFFF1330  }
0x25: {  	[tilespmem:s2], [sflag:$0x1] =	stream.linear.gather [hbm4b:s17+s2], $0xECD0, $0x38;
	[tilespmem:$0x1EA00] =	vst v63  }
0x26: {  	_ =	swait.ge [sflag:s12], $0xECD0  }
0x27: {  	[sflag:s12] =	ssyncset.done $0x0  }
0x28: {  	s18 =	sadd.s32 $0x4AE8, s9;
	[sflag:s12] =	ssyncadd.s32 $0xFFFF1330  }
0x29: {  	[hbm4b:s18+s2] =	stream.linear.scatter [tilespmem:s7], [sflag:$0x4], $0xECD0, $0x38;
	[tilespmem:$0x1EA00] =	vst v63  }
0x2a: {  	_ =	swait.ge [sflag:s14], $0xECD0  }
0x2b: {  	[sflag:s14] =	ssyncset.done $0x0  }
0x2c: {  	s19 =	sadd.s32 $0xC61C, s21;
	[sflag:s14] =	ssyncadd.s32 $0xFFFF1330  }
0x2d: {  	[tilespmem:s7], [sflag:$0x2] =	stream.linear.gather [hbm4b:s19+s2], $0xECD0, $0x38;
	[tilespmem:$0x1EA00] =	vst v63  }
0x2e: {  	_ =	swait.ge [sflag:s8], $0xECD0  }
0x2f: {  	[sflag:s8] =	ssyncset.done $0x0  }
0x30: {  	s20 =	sadd.s32 $0x6882, s9;
	[sflag:s8] =	ssyncadd.s32 $0xFFFF1330  }
0x31: {  	[hbm4b:s20+s2] =	stream.linear.scatter [tilespmem:s2], [sflag:$0x3], $0xECD0, $0x38;
	[tilespmem:$0x1EA00] =	vst v63  }
0x32: {  	_ =	swait.ge [sflag:s10], $0xECD0  }
0x33: {  	[sflag:s10] =	ssyncset.done $0x0  }
0x34: {  	s21 =	sadd.s32 $0xE3B6, s21;
	[sflag:s10] =	ssyncadd.s32 $0xFFFF1330  }
0x35: {  	[tilespmem:s2], [sflag:$0x1] =	stream.linear.gather [hbm4b:s21+s2], $0xECD0, $0x38;
	[tilespmem:$0x1EA00] =	vst v63  }
0x36: {  	_ =	swait.ge [sflag:s12], $0xECD0  }
0x37: {  	[sflag:s12] =	ssyncset.done $0x0  }
0x38: {  	s22 =	sadd.s32 $0x861C, s9;
	[sflag:s12] =	ssyncadd.s32 $0xFFFF1330  }
0x39: {  	[hbm4b:s22+s2] =	stream.linear.scatter [tilespmem:s7], [sflag:$0x4], $0xECD0, $0x38;
	[tilespmem:$0x1EA00] =	vst v63  }
0x3a: {  	_ =	swait.ge [sflag:s8], $0xECD0  }
0x3b: {  	[sflag:s8] =	ssyncset.done $0x0  }
0x3c: {  	s24 =	simm.s32 $0x5;
	s23 =	sadd.s32 $0xA3B6, s9;
	[sflag:s8] =	ssyncadd.s32 $0xFFFF1330  }
0x3d: {  	[hbm4b:s23+s2] =	stream.linear.scatter [tilespmem:s2], [sflag:$0x3], $0xECD0, $0x38;
	[tilespmem:$0x1EA00] =	vst v63  }
0x3e: {  	_ =	swait.ge [sflag:s24], $0x1000  }
0x3f: {  	s26 =	ssub.s32 $0x2, s26;
	s25 =	sadd.s32 s28, s25;
	[sflag:s24] =	ssyncset.done $0x0  }
0x40: {  	s31 =	sshrl.u32 s26, $0x1;
	s25 =	sadd.s32 $0x182A00, s25;
	[sflag:s24] =	ssyncadd.s32 $0xFFFFF000  }
0x41: {  	[hbm4b:s25+s2] =	stream.linear.scatter [tilespmem:s4], [sflag:$0x5], $0x1000, $0x38;
	[tilespmem:$0x1EA00] =	vst v63  }
0x42: {  	s26 =	ssub.s32 s26, s31;
	_ =	swait.ge [sflag:s14], $0xECD0  }
0x43: {  	s26 =	smax.u32 s26, $0x1;
	[sflag:s14] =	ssyncset.done $0x0  }
0x44: {  	p0 =	sne.s32 s26, $0x1;
	[sflag:s14] =	ssyncadd.s32 $0xFFFF1330  }
.Ltmp0:
0x45: {  	_ =	swait.ge [sflag:s10], $0xECD0;
	(pc) =	sbr.rel @!p0 .LBB2_2-.Ltmp0, $4  }
0x46: {  	[sflag:s10] =	ssyncset.done $0x0  }
0x47: {  	[sflag:s10] =	ssyncadd.s32 $0xFFFF1330  }
0x48: {  	_ =	swait.ge [sflag:s24], $0x1000  }
0x49: {  	s26 =	sadd.s32 $0xFFFFFFFF, s26;
	[sflag:s24] =	ssyncset.done $0x0  }
.LBB2_1:
0x4a: {  	p0 =	sne.s32 s26, $0x1;
	s26 =	sadd.s32 $0xFFFFFFFF, s26;
	[sflag:s24] =	ssyncadd.s32 $0xFFFFF000  }
0x4b: {  	[tilespmem:s4], [sflag:$0x5] =	stream.linear.gather [hbm4b:s3+s2], $0x1000, $0x38;
	[tilespmem:$0x1EA00] =	vst v63  }
0x4c: {  	_ = 	snop  }
0x4d: {  	[tilespmem:s2], [sflag:$0x1] =	stream.linear.gather [hbm4b:s5+s2], $0x7DA0, $0x38;
	[tilespmem:$0x1EA00] =	vst v63  }
0x4e: {  	_ = 	snop  }
0x4f: {  	[tilespmem:s7], [sflag:$0x2] =	stream.linear.gather [hbm4b:s6+s2], $0xECD0, $0x38;
	[tilespmem:$0x1EA00] =	vst v63  }
0x50: {  	_ =	swait.ge [sflag:s8], $0x7DA0  }
0x51: {  	[sflag:s8] =	ssyncset.done $0x0  }
0x52: {  	[sflag:s8] =	ssyncadd.s32 $0xFFFF8260  }
0x53: {  	[hbm4b:s9+s2] =	stream.linear.scatter [tilespmem:s2], [sflag:$0x3], $0x7DA0, $0x38;
	[tilespmem:$0x1EA00] =	vst v63  }
0x54: {  	_ =	swait.ge [sflag:s10], $0x7DA0  }
0x55: {  	[sflag:s10] =	ssyncset.done $0x0  }
0x56: {  	[sflag:s10] =	ssyncadd.s32 $0xFFFF8260  }
0x57: {  	[tilespmem:s2], [sflag:$0x1] =	stream.linear.gather [hbm4b:s11+s2], $0xECD0, $0x38;
	[tilespmem:$0x1EA00] =	vst v63  }
0x58: {  	_ =	swait.ge [sflag:s12], $0xECD0  }
0x59: {  	[sflag:s12] =	ssyncset.done $0x0  }
0x5a: {  	[sflag:s12] =	ssyncadd.s32 $0xFFFF1330  }
0x5b: {  	[hbm4b:s13+s2] =	stream.linear.scatter [tilespmem:s7], [sflag:$0x4], $0xECD0, $0x38;
	[tilespmem:$0x1EA00] =	vst v63  }
0x5c: {  	_ =	swait.ge [sflag:s14], $0xECD0  }
0x5d: {  	[sflag:s14] =	ssyncset.done $0x0  }
0x5e: {  	[sflag:s14] =	ssyncadd.s32 $0xFFFF1330  }
0x5f: {  	[tilespmem:s7], [sflag:$0x2] =	stream.linear.gather [hbm4b:s15+s2], $0xECD0, $0x38;
	[tilespmem:$0x1EA00] =	vst v63  }
0x60: {  	_ =	swait.ge [sflag:s8], $0xECD0  }
0x61: {  	[sflag:s8] =	ssyncset.done $0x0  }
0x62: {  	[sflag:s8] =	ssyncadd.s32 $0xFFFF1330  }
0x63: {  	[hbm4b:s16+s2] =	stream.linear.scatter [tilespmem:s2], [sflag:$0x3], $0xECD0, $0x38;
	[tilespmem:$0x1EA00] =	vst v63  }
0x64: {  	_ =	swait.ge [sflag:s10], $0xECD0  }
0x65: {  	[sflag:s10] =	ssyncset.done $0x0  }
0x66: {  	[sflag:s10] =	ssyncadd.s32 $0xFFFF1330  }
0x67: {  	[tilespmem:s2], [sflag:$0x1] =	stream.linear.gather [hbm4b:s17+s2], $0xECD0, $0x38;
	[tilespmem:$0x1EA00] =	vst v63  }
0x68: {  	_ =	swait.ge [sflag:s12], $0xECD0  }
0x69: {  	[sflag:s12] =	ssyncset.done $0x0  }
0x6a: {  	[sflag:s12] =	ssyncadd.s32 $0xFFFF1330  }
0x6b: {  	[hbm4b:s18+s2] =	stream.linear.scatter [tilespmem:s7], [sflag:$0x4], $0xECD0, $0x38;
	[tilespmem:$0x1EA00] =	vst v63  }
0x6c: {  	_ =	swait.ge [sflag:s14], $0xECD0  }
0x6d: {  	[sflag:s14] =	ssyncset.done $0x0  }
0x6e: {  	[sflag:s14] =	ssyncadd.s32 $0xFFFF1330  }
0x6f: {  	[tilespmem:s7], [sflag:$0x2] =	stream.linear.gather [hbm4b:s19+s2], $0xECD0, $0x38;
	[tilespmem:$0x1EA00] =	vst v63  }
0x70: {  	_ =	swait.ge [sflag:s8], $0xECD0  }
0x71: {  	[sflag:s8] =	ssyncset.done $0x0  }
0x72: {  	[sflag:s8] =	ssyncadd.s32 $0xFFFF1330  }
0x73: {  	[hbm4b:s20+s2] =	stream.linear.scatter [tilespmem:s2], [sflag:$0x3], $0xECD0, $0x38;
	[tilespmem:$0x1EA00] =	vst v63  }
0x74: {  	_ =	swait.ge [sflag:s10], $0xECD0  }
0x75: {  	[sflag:s10] =	ssyncset.done $0x0  }
0x76: {  	[sflag:s10] =	ssyncadd.s32 $0xFFFF1330  }
0x77: {  	[tilespmem:s2], [sflag:$0x1] =	stream.linear.gather [hbm4b:s21+s2], $0xECD0, $0x38;
	[tilespmem:$0x1EA00] =	vst v63  }
0x78: {  	_ =	swait.ge [sflag:s12], $0xECD0  }
0x79: {  	[sflag:s12] =	ssyncset.done $0x0  }
0x7a: {  	[sflag:s12] =	ssyncadd.s32 $0xFFFF1330  }
0x7b: {  	[hbm4b:s22+s2] =	stream.linear.scatter [tilespmem:s7], [sflag:$0x4], $0xECD0, $0x38;
	[tilespmem:$0x1EA00] =	vst v63  }
0x7c: {  	_ =	swait.ge [sflag:s8], $0xECD0  }
0x7d: {  	[sflag:s8] =	ssyncset.done $0x0  }
0x7e: {  	[sflag:s8] =	ssyncadd.s32 $0xFFFF1330  }
0x7f: {  	[hbm4b:s23+s2] =	stream.linear.scatter [tilespmem:s2], [sflag:$0x3], $0xECD0, $0x38;
	[tilespmem:$0x1EA00] =	vst v63  }
0x80: {  	_ =	swait.ge [sflag:s24], $0x1000  }
0x81: {  	[sflag:s24] =	ssyncset.done $0x0  }
0x82: {  	[sflag:s24] =	ssyncadd.s32 $0xFFFFF000  }
0x83: {  	[hbm4b:s25+s2] =	stream.linear.scatter [tilespmem:s4], [sflag:$0x5], $0x1000, $0x38;
	[tilespmem:$0x1EA00] =	vst v63  }
0x84: {  	_ =	swait.ge [sflag:s14], $0xECD0  }
0x85: {  	[sflag:s14] =	ssyncset.done $0x0  }
0x86: {  	[sflag:s14] =	ssyncadd.s32 $0xFFFF1330  }
.Ltmp1:
0x87: {  	_ =	swait.ge [sflag:s10], $0xECD0;
	(pc) =	sbr.rel @p0 .LBB2_1-.Ltmp1, $4  }
0x88: {  	[sflag:s10] =	ssyncset.done $0x0  }
0x89: {  	[sflag:s10] =	ssyncadd.s32 $0xFFFF1330  }
0x8a: {  	_ =	swait.ge [sflag:s24], $0x1000  }
0x8b: {  	[sflag:s24] =	ssyncset.done $0x0  }
.LBB2_2:
0x8c: {  	[sflag:s24] =	ssyncadd.s32 $0xFFFFF000  }
0x8d: {  	_ =	sfence.sel $0x180000  }
0x8e: {  	[bflag:$0x0] =	sbarrier.arrive $0xFFFF  }
0x8f: {  	p0 =	sne.s32 s0, $0x0;
	_ =	strace $0x90000047  }
0x90: {  	s0 =	sadd.s32 @!p0 $0x100000, s1;
	[bflag:$0x2] =	sbarrier.arrive $0xFFFF  }
0x91: {  	[sflag:s0] =	ssyncadd.tile.s32 @!p0 $0x1;
	_ =	shalt  }
.Lfunc_end2:
_tile_overlayer_lowered:
.L_overlay_start_2:
0x92: {  	(tag) =	ssettag $0x2  }
0x93: {  	s0 =	rddreg [dreg:$0x0];
	s2 =	stileid.u32  }
0x94: {  	s1 =	rddreg [dreg:$0x1];
	p0 =	sne.s32 s2, $0x0  }
0x95: {  	s3 =	rddreg [dreg:$0x2];
	[bflag:$0x3] =	sbarrier.arrive $0xFFFF;
	s2 =	simm.s32 @!p0 $0x1C06  }
0x96: {  	[timem:s3], [sflag:s2] =	dma.local @!p0 [hbm:s0], s1  }
0x97: {  	s0 =	simm.s32 @!p0 $0x6  }
0x98: {  	_ =	swait.ge @!p0 [sflag:s0], s1  }
0x99: {  	s1 =	ssub.s32 @!p0 $0x0, s1;
	[sflag:s0] =	ssyncset.done @!p0 $0x0  }
0x9a: {  	[sflag:s0] =	ssyncadd.s32 @!p0 s1  }
0x9b: {  	[bflag:$0x3] =	sbarrier.arrive $0xFFFF  }
0x9c: {  	_ =	shalt  }

</sc_bundles>
